<compile_context>
chip_gen: v7x
topology: tpu7x:2x2x1
jax: 0.10.2.dev20260603
libtpu: 0.0.44.dev20260713+nightly
codegen_flags: <defaults>
</compile_context>

<pallas_src>
import functools
import math

import jax
import jax.numpy as jnp
from jax import lax
from jax.experimental import pallas as pl
from jax.experimental.pallas import tpu as pltpu
from jax.experimental.pallas import tpu_sc as plsc

_NUM_SPECIES = 100
_CUTOFF = 5.0
_NUM_BASIS = 16
_N_NODES = 100000
_N_EDGES = 3200000
_EMBED_DIM = 8


_NC = 2
_NS = 16
_NW = _NC * _NS


def _sc_gather(table, idx, d_half):
    n = idx.shape[0]
    d = table.shape[1]
    b_per_w = 3128
    tail = n - (_NW - 1) * b_per_w
    mesh = plsc.VectorSubcoreMesh(core_axis_name="c", subcore_axis_name="s")

    @functools.partial(
        pl.kernel,
        out_type=(jax.ShapeDtypeStruct((n, d_half), jnp.float32),
                  jax.ShapeDtypeStruct((n, d_half), jnp.float32)),
        mesh=mesh,
        scratch_types=[
            pltpu.VMEM((b_per_w,), jnp.int32),
            pltpu.VMEM((b_per_w, d), jnp.float32),
            pltpu.SemaphoreType.DMA,
        ],
        compiler_params=pltpu.CompilerParams(use_tc_tiling_on_sc=False),
    )
    def gather_kernel(table_hbm, idx_hbm, outx_hbm, outz_hbm, idx_v, rows_v, sem):
        wid = lax.axis_index("s") * _NC + lax.axis_index("c")
        base = wid * b_per_w

        @pl.when(wid < _NW - 1)
        def _full():
            pltpu.sync_copy(idx_hbm.at[pl.ds(base, b_per_w)], idx_v)
            pltpu.async_copy(table_hbm.at[idx_v], rows_v, sem).wait()
            pltpu.sync_copy(rows_v.at[:, 0:d_half],
                            outx_hbm.at[pl.ds(base, b_per_w)])
            pltpu.sync_copy(rows_v.at[:, d_half:d],
                            outz_hbm.at[pl.ds(base, b_per_w)])

        @pl.when(wid == _NW - 1)
        def _tail():
            pltpu.sync_copy(idx_hbm.at[pl.ds(base, tail)],
                            idx_v.at[pl.ds(0, tail)])
            pltpu.async_copy(table_hbm.at[idx_v.at[pl.ds(0, tail)]],
                             rows_v.at[pl.ds(0, tail)], sem).wait()
            pltpu.sync_copy(rows_v.at[pl.ds(0, tail), 0:d_half],
                            outx_hbm.at[pl.ds(base, tail)])
            pltpu.sync_copy(rows_v.at[pl.ds(0, tail), d_half:d],
                            outz_hbm.at[pl.ds(base, tail)])

    return gather_kernel(table, idx)




def _bessel_kernel(ea_ref, out_ref, *, cutoff, num_basis):
    v = ea_ref[...]
    r2 = v[0] * v[0] + v[1] * v[1] + v[2] * v[2]
    r = jnp.sqrt(r2)
    coef = math.sqrt(2.0 / cutoff)
    y8 = r * (1.0 / cutoff)
    i8 = coef / r
    lane = lax.broadcasted_iota(jnp.int32, (8, 128), 1)
    sub = lax.broadcasted_iota(jnp.int32, (8, 128), 0)
    rep1 = (lane // num_basis == sub).astype(jnp.float32)
    rep_n = rep1 * (lane % num_basis + 1).astype(jnp.float32)
    y = jnp.dot(y8, rep_n, preferred_element_type=jnp.float32,
                precision=lax.Precision.HIGHEST)
    inv = jnp.dot(i8, rep1, preferred_element_type=jnp.float32,
                  precision=lax.Precision.HIGHEST)
    x = y - 2.0 * jnp.round(y * 0.5)
    x2 = x * x
    p = jnp.float32(-0.00614082)
    p = p * x2 + jnp.float32(0.08086612)
    p = p * x2 + jnp.float32(-0.59864496)
    p = p * x2 + jnp.float32(2.55002856)
    p = p * x2 + jnp.float32(-5.167702)
    p = p * x2 + jnp.float32(3.14159252)
    out_ref[...] = x * p * inv


def _edge_bessel(edge_attr, block_rows):
    e = edge_attr.shape[0]
    rows = e // 8
    grid = rows // block_rows
    ea3 = edge_attr.T.reshape(3, rows, 8)
    out = pl.pallas_call(
        functools.partial(_bessel_kernel, cutoff=_CUTOFF, num_basis=_NUM_BASIS),
        grid=(grid,),
        in_specs=[pl.BlockSpec((3, block_rows, 8), lambda i: (0, i, 0))],
        out_specs=pl.BlockSpec((block_rows, 128), lambda i: (i, 0)),
        out_shape=jax.ShapeDtypeStruct((rows, 128), jnp.float32),
    )(ea3)
    return out.reshape(e, _NUM_BASIS)


def kernel(x, edge_attr, W_node_x, W_node_z):
    table = jnp.concatenate([W_node_x, W_node_z], axis=1)
    h_node_x, h_node_z = _sc_gather(table, x, _EMBED_DIM)

    h_edge = _edge_bessel(edge_attr, block_rows=1600)

    return (h_node_x, h_node_z, h_edge)

# --- scband reference (transcript-rebuilt; emitter-appended) ---
"""Pipeline reference for scband-initial-embedding-34591666602603 (READ-ONLY COPY).

The authoritative reference and input builder live on the scoring server;
editing this copy changes nothing except your own understanding.
"""

import jax, jax.numpy as jnp
import numpy as np

NUM_SPECIES = 100
CUTOFF = 5.0
NUM_BASIS = 16
N_NODES = 100000
N_EDGES = 3200000
EMBED_DIM = 8


def bessel(r, start, end, num_basis):
    # Radial Bessel basis (DimeNet-style): sqrt(2/c) * sin(n*pi*(r-start)/c) / (r-start)
    c = end - start
    n = jnp.arange(1, num_basis + 1, dtype=jnp.float32)
    rr = r[..., None] - start
    return jnp.sqrt(2.0 / c) * jnp.sin(n * jnp.pi * rr / c) / rr


def setup_inputs(seed: int = 0) -> dict:
    key = jax.random.key(seed)
    k1, k2, k3, k4 = jax.random.split(key, 4)
    x = jax.random.randint(k1, (N_NODES,), 0, NUM_SPECIES, dtype=jnp.int32)
    edge_attr = jax.random.normal(k2, (N_EDGES, 3), dtype=jnp.float32)
    W_node_x = jax.random.normal(k3, (NUM_SPECIES, EMBED_DIM), dtype=jnp.float32)
    W_node_z = jax.random.normal(k4, (NUM_SPECIES, EMBED_DIM), dtype=jnp.float32)
    return {"x": x, "edge_attr": edge_attr, "W_node_x": W_node_x, "W_node_z": W_node_z}


def reference(x, edge_attr, W_node_x, W_node_z):
    # data.h_node_x = self.embed_node_x(data.x)
    h_node_x = jnp.take(W_node_x, x, axis=0)
    # data.h_node_z = self.embed_node_z(data.x)
    h_node_z = jnp.take(W_node_z, x, axis=0)
    # data.h_edge = self.embed_edge(data.edge_attr.norm(dim=-1))
    r = jnp.linalg.norm(edge_attr, axis=-1)
    h_edge = bessel(r, 0.0, CUTOFF, NUM_BASIS)
    return (h_node_x, h_node_z, h_edge)

if __name__ == "__main__":
    import jax
    _d = setup_inputs()
    print(jax.jit(kernel)(*tuple(_d.values())))

</pallas_src>

<mosaic_0001>
#map = affine_map<(d0, d1) -> (0, 0)>
#map1 = affine_map<(d0, d1) -> (0)>
module attributes {stable_mosaic.version = 14 : i64} {
  func.func @gather_kernel(%arg0: i32, %arg1: i32, %arg2: memref<100x16xf32, #tpu.memory_space<hbm>>, %arg3: memref<100000xi32, #tpu.memory_space<hbm>>, %arg4: memref<100000x8xf32, #tpu.memory_space<hbm>>, %arg5: memref<100000x8xf32, #tpu.memory_space<hbm>>, %arg6: memref<3128xi32, #tpu.memory_space<vmem>>, %arg7: memref<3128x16xf32, #tpu.memory_space<vmem>>, %arg8: memref<!tpu.dma_semaphore, #tpu.memory_space<semaphore_mem>>) attributes {dimension_semantics = [#tpu.dimension_semantics<core_parallel>, #tpu.dimension_semantics<subcore_parallel>], iteration_bounds = array<i64: 2, 16>, scalar_prefetch = 0 : i64, scratch_operands = 3 : i64, tpu.core_type = #tpu.core_type<sc_vector_subcore>, window_params = [{transform_indices = #map}, {transform_indices = #map1}, {transform_indices = #map}, {transform_indices = #map}]} {
    %mul3A = arith.constant 2 : i32
    %mul3A_0 = arith.muli %arg1, %mul3A : i32
    %add3A = arith.addi %mul3A_0, %arg0 : i32
    %mul3A_1 = arith.constant 3128 : i32
    %mul3A_2 = arith.muli %add3A, %mul3A_1 : i32
    %lt3A = arith.constant 31 : i32
    %lt3A_3 = arith.cmpi slt, %add3A, %lt3A : i32
    %convert_element_type3A = arith.extui %lt3A_3 : i1 to i32
    %cond3A = arith.constant 0 : i32
    %cond3A_4 = arith.cmpi ne, %convert_element_type3A, %cond3A : i32
    scf.if %cond3A_4 {
      "tpu.region"() ({
        %run_scoped3A = tpu.sem_alloc : memref<!tpu.dma_semaphore, #tpu.memory_space<semaphore_mem>>
        %dma_start3A_13 = tpu.memref_slice %arg3[%mul3A_2] : memref<100000xi32, #tpu.memory_space<hbm>> -> memref<3128xi32, #tpu.memory_space<hbm>>
        %dma_start3A_14 = tpu.memref_slice %arg3[%mul3A_2] : memref<100000xi32, #tpu.memory_space<hbm>> -> memref<3128xi32, #tpu.memory_space<hbm>>
        tpu.enqueue_dma source(%dma_start3A_14 : memref<3128xi32, #tpu.memory_space<hbm>>) target(%arg6 : memref<3128xi32, #tpu.memory_space<vmem>>) target_semaphore(%run_scoped3A : memref<!tpu.dma_semaphore, #tpu.memory_space<semaphore_mem>>)
        %dma_wait3A_15 = tpu.memref_slice %arg3[%mul3A_2] : memref<100000xi32, #tpu.memory_space<hbm>> -> memref<3128xi32, #tpu.memory_space<hbm>>
        %dma_wait3A_16 = tpu.memref_slice %arg3[%mul3A_2] : memref<100000xi32, #tpu.memory_space<hbm>> -> memref<3128xi32, #tpu.memory_space<hbm>>
        tpu.wait_dma2 semaphore(%run_scoped3A : memref<!tpu.dma_semaphore, #tpu.memory_space<semaphore_mem>>) src(%dma_wait3A_16 : memref<3128xi32, #tpu.memory_space<hbm>>) dst(%arg6 : memref<3128xi32, #tpu.memory_space<vmem>>)
        tpu.yield
      }) : () -> ()
      %dma_start3A = arith.constant 0 : i32
      %dma_start3A_9 = arith.constant 0 : i32
      %dma_start3A_10 = tpu.memref_slice %arg2[%dma_start3A, %dma_start3A_9] : memref<100x16xf32, #tpu.memory_space<hbm>> -> memref<100x16xf32, #tpu.memory_space<hbm>>
      tpu.enqueue_indirect_dma source(%dma_start3A_10 : memref<100x16xf32, #tpu.memory_space<hbm>>) target(%arg7 : memref<3128x16xf32, #tpu.memory_space<vmem>>) offsets(%arg6 : memref<3128xi32, #tpu.memory_space<vmem>>) semaphore(%arg8 : memref<!tpu.dma_semaphore, #tpu.memory_space<semaphore_mem>>)
      %dma_wait3A = arith.constant 0 : i32
      %dma_wait3A_11 = arith.constant 0 : i32
      %dma_wait3A_12 = tpu.memref_slice %arg2[%dma_wait3A, %dma_wait3A_11] : memref<100x16xf32, #tpu.memory_space<hbm>> -> memref<100x16xf32, #tpu.memory_space<hbm>>
      tpu.wait_indirect_dma semaphore(%arg8 : memref<!tpu.dma_semaphore, #tpu.memory_space<semaphore_mem>>) src(%dma_wait3A_12 : memref<100x16xf32, #tpu.memory_space<hbm>>) dst(%arg7 : memref<3128x16xf32, #tpu.memory_space<vmem>>)
      "tpu.region"() ({
        %run_scoped3A = tpu.sem_alloc : memref<!tpu.dma_semaphore, #tpu.memory_space<semaphore_mem>>
        %dma_start3A_13 = arith.constant 0 : i32
        %dma_start3A_14 = arith.constant 0 : i32
        %dma_start3A_15 = tpu.memref_slice %arg7[%dma_start3A_13, %dma_start3A_14] : memref<3128x16xf32, #tpu.memory_space<vmem>> -> memref<3128x8xf32, #tpu.memory_space<vmem>>
        %dma_start3A_16 = arith.constant 0 : i32
        %dma_start3A_17 = tpu.memref_slice %arg4[%mul3A_2, %dma_start3A_16] : memref<100000x8xf32, #tpu.memory_space<hbm>> -> memref<3128x8xf32, #tpu.memory_space<hbm>>
        %dma_start3A_18 = arith.constant 0 : i32
        %dma_start3A_19 = tpu.memref_slice %arg4[%mul3A_2, %dma_start3A_18] : memref<100000x8xf32, #tpu.memory_space<hbm>> -> memref<3128x8xf32, #tpu.memory_space<hbm>>
        %dma_start3A_20 = arith.constant 0 : i32
        %dma_start3A_21 = arith.constant 0 : i32
        %dma_start3A_22 = tpu.memref_slice %arg7[%dma_start3A_20, %dma_start3A_21] : memref<3128x16xf32, #tpu.memory_space<vmem>> -> memref<3128x8xf32, #tpu.memory_space<vmem>>
        tpu.enqueue_dma source(%dma_start3A_22 : memref<3128x8xf32, #tpu.memory_space<vmem>>) target(%dma_start3A_19 : memref<3128x8xf32, #tpu.memory_space<hbm>>) target_semaphore(%run_scoped3A : memref<!tpu.dma_semaphore, #tpu.memory_space<semaphore_mem>>)
        %dma_wait3A_23 = arith.constant 0 : i32
        %dma_wait3A_24 = arith.constant 0 : i32
        %dma_wait3A_25 = tpu.memref_slice %arg7[%dma_wait3A_23, %dma_wait3A_24] : memref<3128x16xf32, #tpu.memory_space<vmem>> -> memref<3128x8xf32, #tpu.memory_space<vmem>>
        %dma_wait3A_26 = arith.constant 0 : i32
        %dma_wait3A_27 = tpu.memref_slice %arg4[%mul3A_2, %dma_wait3A_26] : memref<100000x8xf32, #tpu.memory_space<hbm>> -> memref<3128x8xf32, #tpu.memory_space<hbm>>
        %dma_wait3A_28 = arith.constant 0 : i32
        %dma_wait3A_29 = tpu.memref_slice %arg4[%mul3A_2, %dma_wait3A_28] : memref<100000x8xf32, #tpu.memory_space<hbm>> -> memref<3128x8xf32, #tpu.memory_space<hbm>>
        %dma_wait3A_30 = arith.constant 0 : i32
        %dma_wait3A_31 = arith.constant 0 : i32
        %dma_wait3A_32 = tpu.memref_slice %arg7[%dma_wait3A_30, %dma_wait3A_31] : memref<3128x16xf32, #tpu.memory_space<vmem>> -> memref<3128x8xf32, #tpu.memory_space<vmem>>
        tpu.wait_dma2 semaphore(%run_scoped3A : memref<!tpu.dma_semaphore, #tpu.memory_space<semaphore_mem>>) src(%dma_wait3A_32 : memref<3128x8xf32, #tpu.memory_space<vmem>>) dst(%dma_wait3A_29 : memref<3128x8xf32, #tpu.memory_space<hbm>>)
        tpu.yield
      }) : () -> ()
      "tpu.region"() ({
        %run_scoped3A = tpu.sem_alloc : memref<!tpu.dma_semaphore, #tpu.memory_space<semaphore_mem>>
        %dma_start3A_13 = arith.constant 0 : i32
        %dma_start3A_14 = arith.constant 8 : i32
        %dma_start3A_15 = tpu.memref_slice %arg7[%dma_start3A_13, %dma_start3A_14] : memref<3128x16xf32, #tpu.memory_space<vmem>> -> memref<3128x8xf32, #tpu.memory_space<vmem>>
        %dma_start3A_16 = arith.constant 0 : i32
        %dma_start3A_17 = tpu.memref_slice %arg5[%mul3A_2, %dma_start3A_16] : memref<100000x8xf32, #tpu.memory_space<hbm>> -> memref<3128x8xf32, #tpu.memory_space<hbm>>
        %dma_start3A_18 = arith.constant 0 : i32
        %dma_start3A_19 = tpu.memref_slice %arg5[%mul3A_2, %dma_start3A_18] : memref<100000x8xf32, #tpu.memory_space<hbm>> -> memref<3128x8xf32, #tpu.memory_space<hbm>>
        %dma_start3A_20 = arith.constant 0 : i32
        %dma_start3A_21 = arith.constant 8 : i32
        %dma_start3A_22 = tpu.memref_slice %arg7[%dma_start3A_20, %dma_start3A_21] : memref<3128x16xf32, #tpu.memory_space<vmem>> -> memref<3128x8xf32, #tpu.memory_space<vmem>>
        tpu.enqueue_dma source(%dma_start3A_22 : memref<3128x8xf32, #tpu.memory_space<vmem>>) target(%dma_start3A_19 : memref<3128x8xf32, #tpu.memory_space<hbm>>) target_semaphore(%run_scoped3A : memref<!tpu.dma_semaphore, #tpu.memory_space<semaphore_mem>>)
        %dma_wait3A_23 = arith.constant 0 : i32
        %dma_wait3A_24 = arith.constant 8 : i32
        %dma_wait3A_25 = tpu.memref_slice %arg7[%dma_wait3A_23, %dma_wait3A_24] : memref<3128x16xf32, #tpu.memory_space<vmem>> -> memref<3128x8xf32, #tpu.memory_space<vmem>>
        %dma_wait3A_26 = arith.constant 0 : i32
        %dma_wait3A_27 = tpu.memref_slice %arg5[%mul3A_2, %dma_wait3A_26] : memref<100000x8xf32, #tpu.memory_space<hbm>> -> memref<3128x8xf32, #tpu.memory_space<hbm>>
        %dma_wait3A_28 = arith.constant 0 : i32
        %dma_wait3A_29 = tpu.memref_slice %arg5[%mul3A_2, %dma_wait3A_28] : memref<100000x8xf32, #tpu.memory_space<hbm>> -> memref<3128x8xf32, #tpu.memory_space<hbm>>
        %dma_wait3A_30 = arith.constant 0 : i32
        %dma_wait3A_31 = arith.constant 8 : i32
        %dma_wait3A_32 = tpu.memref_slice %arg7[%dma_wait3A_30, %dma_wait3A_31] : memref<3128x16xf32, #tpu.memory_space<vmem>> -> memref<3128x8xf32, #tpu.memory_space<vmem>>
        tpu.wait_dma2 semaphore(%run_scoped3A : memref<!tpu.dma_semaphore, #tpu.memory_space<semaphore_mem>>) src(%dma_wait3A_32 : memref<3128x8xf32, #tpu.memory_space<vmem>>) dst(%dma_wait3A_29 : memref<3128x8xf32, #tpu.memory_space<hbm>>)
        tpu.yield
      }) : () -> ()
    } else {
    }
    %eq3A = arith.constant 31 : i32
    %eq3A_5 = arith.cmpi eq, %add3A, %eq3A : i32
    %convert_element_type3A_6 = arith.extui %eq3A_5 : i1 to i32
    %cond3A_7 = arith.constant 0 : i32
    %cond3A_8 = arith.cmpi ne, %convert_element_type3A_6, %cond3A_7 : i32
    scf.if %cond3A_8 {
      "tpu.region"() ({
        %run_scoped3A = tpu.sem_alloc : memref<!tpu.dma_semaphore, #tpu.memory_space<semaphore_mem>>
        %dma_start3A_23 = arith.constant 0 : i32
        %dma_start3A_24 = tpu.memref_slice %arg6[%dma_start3A_23] : memref<3128xi32, #tpu.memory_space<vmem>> -> memref<3032xi32, #tpu.memory_space<vmem>>
        %dma_start3A_25 = tpu.memref_slice %arg3[%mul3A_2] : memref<100000xi32, #tpu.memory_space<hbm>> -> memref<3032xi32, #tpu.memory_space<hbm>>
        %dma_start3A_26 = arith.constant 0 : i32
        %dma_start3A_27 = tpu.memref_slice %arg6[%dma_start3A_26] : memref<3128xi32, #tpu.memory_space<vmem>> -> memref<3032xi32, #tpu.memory_space<vmem>>
        %dma_start3A_28 = tpu.memref_slice %arg3[%mul3A_2] : memref<100000xi32, #tpu.memory_space<hbm>> -> memref<3032xi32, #tpu.memory_space<hbm>>
        tpu.enqueue_dma source(%dma_start3A_28 : memref<3032xi32, #tpu.memory_space<hbm>>) target(%dma_start3A_27 : memref<3032xi32, #tpu.memory_space<vmem>>) target_semaphore(%run_scoped3A : memref<!tpu.dma_semaphore, #tpu.memory_space<semaphore_mem>>)
        %dma_wait3A_29 = arith.constant 0 : i32
        %dma_wait3A_30 = tpu.memref_slice %arg6[%dma_wait3A_29] : memref<3128xi32, #tpu.memory_space<vmem>> -> memref<3032xi32, #tpu.memory_space<vmem>>
        %dma_wait3A_31 = tpu.memref_slice %arg3[%mul3A_2] : memref<100000xi32, #tpu.memory_space<hbm>> -> memref<3032xi32, #tpu.memory_space<hbm>>
        %dma_wait3A_32 = arith.constant 0 : i32
        %dma_wait3A_33 = tpu.memref_slice %arg6[%dma_wait3A_32] : memref<3128xi32, #tpu.memory_space<vmem>> -> memref<3032xi32, #tpu.memory_space<vmem>>
        %dma_wait3A_34 = tpu.memref_slice %arg3[%mul3A_2] : memref<100000xi32, #tpu.memory_space<hbm>> -> memref<3032xi32, #tpu.memory_space<hbm>>
        tpu.wait_dma2 semaphore(%run_scoped3A : memref<!tpu.dma_semaphore, #tpu.memory_space<semaphore_mem>>) src(%dma_wait3A_34 : memref<3032xi32, #tpu.memory_space<hbm>>) dst(%dma_wait3A_33 : memref<3032xi32, #tpu.memory_space<vmem>>)
        tpu.yield
      }) : () -> ()
      %dma_start3A = arith.constant 0 : i32
      %dma_start3A_9 = arith.constant 0 : i32
      %dma_start3A_10 = tpu.memref_slice %arg7[%dma_start3A, %dma_start3A_9] : memref<3128x16xf32, #tpu.memory_space<vmem>> -> memref<3032x16xf32, #tpu.memory_space<vmem>>
      %dma_start3A_11 = arith.constant 0 : i32
      %dma_start3A_12 = tpu.memref_slice %arg6[%dma_start3A_11] : memref<3128xi32, #tpu.memory_space<vmem>> -> memref<3032xi32, #tpu.memory_space<vmem>>
      %dma_start3A_13 = arith.constant 0 : i32
      %dma_start3A_14 = arith.constant 0 : i32
      %dma_start3A_15 = tpu.memref_slice %arg2[%dma_start3A_13, %dma_start3A_14] : memref<100x16xf32, #tpu.memory_space<hbm>> -> memref<100x16xf32, #tpu.memory_space<hbm>>
      tpu.enqueue_indirect_dma source(%dma_start3A_15 : memref<100x16xf32, #tpu.memory_space<hbm>>) target(%dma_start3A_10 : memref<3032x16xf32, #tpu.memory_space<vmem>>) offsets(%dma_start3A_12 : memref<3032xi32, #tpu.memory_space<vmem>>) semaphore(%arg8 : memref<!tpu.dma_semaphore, #tpu.memory_space<semaphore_mem>>)
      %dma_wait3A = arith.constant 0 : i32
      %dma_wait3A_16 = arith.constant 0 : i32
      %dma_wait3A_17 = tpu.memref_slice %arg7[%dma_wait3A, %dma_wait3A_16] : memref<3128x16xf32, #tpu.memory_space<vmem>> -> memref<3032x16xf32, #tpu.memory_space<vmem>>
      %dma_wait3A_18 = arith.constant 0 : i32
      %dma_wait3A_19 = tpu.memref_slice %arg6[%dma_wait3A_18] : memref<3128xi32, #tpu.memory_space<vmem>> -> memref<3032xi32, #tpu.memory_space<vmem>>
      %dma_wait3A_20 = arith.constant 0 : i32
      %dma_wait3A_21 = arith.constant 0 : i32
      %dma_wait3A_22 = tpu.memref_slice %arg2[%dma_wait3A_20, %dma_wait3A_21] : memref<100x16xf32, #tpu.memory_space<hbm>> -> memref<100x16xf32, #tpu.memory_space<hbm>>
      tpu.wait_indirect_dma semaphore(%arg8 : memref<!tpu.dma_semaphore, #tpu.memory_space<semaphore_mem>>) src(%dma_wait3A_22 : memref<100x16xf32, #tpu.memory_space<hbm>>) dst(%dma_wait3A_17 : memref<3032x16xf32, #tpu.memory_space<vmem>>)
      "tpu.region"() ({
        %run_scoped3A = tpu.sem_alloc : memref<!tpu.dma_semaphore, #tpu.memory_space<semaphore_mem>>
        %dma_start3A_23 = arith.constant 0 : i32
        %dma_start3A_24 = arith.constant 0 : i32
        %dma_start3A_25 = tpu.memref_slice %arg7[%dma_start3A_23, %dma_start3A_24] : memref<3128x16xf32, #tpu.memory_space<vmem>> -> memref<3032x8xf32, #tpu.memory_space<vmem>>
        %dma_start3A_26 = arith.constant 0 : i32
        %dma_start3A_27 = tpu.memref_slice %arg4[%mul3A_2, %dma_start3A_26] : memref<100000x8xf32, #tpu.memory_space<hbm>> -> memref<3032x8xf32, #tpu.memory_space<hbm>>
        %dma_start3A_28 = arith.constant 0 : i32
        %dma_start3A_29 = tpu.memref_slice %arg4[%mul3A_2, %dma_start3A_28] : memref<100000x8xf32, #tpu.memory_space<hbm>> -> memref<3032x8xf32, #tpu.memory_space<hbm>>
        %dma_start3A_30 = arith.constant 0 : i32
        %dma_start3A_31 = arith.constant 0 : i32
        %dma_start3A_32 = tpu.memref_slice %arg7[%dma_start3A_30, %dma_start3A_31] : memref<3128x16xf32, #tpu.memory_space<vmem>> -> memref<3032x8xf32, #tpu.memory_space<vmem>>
        tpu.enqueue_dma source(%dma_start3A_32 : memref<3032x8xf32, #tpu.memory_space<vmem>>) target(%dma_start3A_29 : memref<3032x8xf32, #tpu.memory_space<hbm>>) target_semaphore(%run_scoped3A : memref<!tpu.dma_semaphore, #tpu.memory_space<semaphore_mem>>)
        %dma_wait3A_33 = arith.constant 0 : i32
        %dma_wait3A_34 = arith.constant 0 : i32
        %dma_wait3A_35 = tpu.memref_slice %arg7[%dma_wait3A_33, %dma_wait3A_34] : memref<3128x16xf32, #tpu.memory_space<vmem>> -> memref<3032x8xf32, #tpu.memory_space<vmem>>
        %dma_wait3A_36 = arith.constant 0 : i32
        %dma_wait3A_37 = tpu.memref_slice %arg4[%mul3A_2, %dma_wait3A_36] : memref<100000x8xf32, #tpu.memory_space<hbm>> -> memref<3032x8xf32, #tpu.memory_space<hbm>>
        %dma_wait3A_38 = arith.constant 0 : i32
        %dma_wait3A_39 = tpu.memref_slice %arg4[%mul3A_2, %dma_wait3A_38] : memref<100000x8xf32, #tpu.memory_space<hbm>> -> memref<3032x8xf32, #tpu.memory_space<hbm>>
        %dma_wait3A_40 = arith.constant 0 : i32
        %dma_wait3A_41 = arith.constant 0 : i32
        %dma_wait3A_42 = tpu.memref_slice %arg7[%dma_wait3A_40, %dma_wait3A_41] : memref<3128x16xf32, #tpu.memory_space<vmem>> -> memref<3032x8xf32, #tpu.memory_space<vmem>>
        tpu.wait_dma2 semaphore(%run_scoped3A : memref<!tpu.dma_semaphore, #tpu.memory_space<semaphore_mem>>) src(%dma_wait3A_42 : memref<3032x8xf32, #tpu.memory_space<vmem>>) dst(%dma_wait3A_39 : memref<3032x8xf32, #tpu.memory_space<hbm>>)
        tpu.yield
      }) : () -> ()
      "tpu.region"() ({
        %run_scoped3A = tpu.sem_alloc : memref<!tpu.dma_semaphore, #tpu.memory_space<semaphore_mem>>
        %dma_start3A_23 = arith.constant 0 : i32
        %dma_start3A_24 = arith.constant 8 : i32
        %dma_start3A_25 = tpu.memref_slice %arg7[%dma_start3A_23, %dma_start3A_24] : memref<3128x16xf32, #tpu.memory_space<vmem>> -> memref<3032x8xf32, #tpu.memory_space<vmem>>
        %dma_start3A_26 = arith.constant 0 : i32
        %dma_start3A_27 = tpu.memref_slice %arg5[%mul3A_2, %dma_start3A_26] : memref<100000x8xf32, #tpu.memory_space<hbm>> -> memref<3032x8xf32, #tpu.memory_space<hbm>>
        %dma_start3A_28 = arith.constant 0 : i32
        %dma_start3A_29 = tpu.memref_slice %arg5[%mul3A_2, %dma_start3A_28] : memref<100000x8xf32, #tpu.memory_space<hbm>> -> memref<3032x8xf32, #tpu.memory_space<hbm>>
        %dma_start3A_30 = arith.constant 0 : i32
        %dma_start3A_31 = arith.constant 8 : i32
        %dma_start3A_32 = tpu.memref_slice %arg7[%dma_start3A_30, %dma_start3A_31] : memref<3128x16xf32, #tpu.memory_space<vmem>> -> memref<3032x8xf32, #tpu.memory_space<vmem>>
        tpu.enqueue_dma source(%dma_start3A_32 : memref<3032x8xf32, #tpu.memory_space<vmem>>) target(%dma_start3A_29 : memref<3032x8xf32, #tpu.memory_space<hbm>>) target_semaphore(%run_scoped3A : memref<!tpu.dma_semaphore, #tpu.memory_space<semaphore_mem>>)
        %dma_wait3A_33 = arith.constant 0 : i32
        %dma_wait3A_34 = arith.constant 8 : i32
        %dma_wait3A_35 = tpu.memref_slice %arg7[%dma_wait3A_33, %dma_wait3A_34] : memref<3128x16xf32, #tpu.memory_space<vmem>> -> memref<3032x8xf32, #tpu.memory_space<vmem>>
        %dma_wait3A_36 = arith.constant 0 : i32
        %dma_wait3A_37 = tpu.memref_slice %arg5[%mul3A_2, %dma_wait3A_36] : memref<100000x8xf32, #tpu.memory_space<hbm>> -> memref<3032x8xf32, #tpu.memory_space<hbm>>
        %dma_wait3A_38 = arith.constant 0 : i32
        %dma_wait3A_39 = tpu.memref_slice %arg5[%mul3A_2, %dma_wait3A_38] : memref<100000x8xf32, #tpu.memory_space<hbm>> -> memref<3032x8xf32, #tpu.memory_space<hbm>>
        %dma_wait3A_40 = arith.constant 0 : i32
        %dma_wait3A_41 = arith.constant 8 : i32
        %dma_wait3A_42 = tpu.memref_slice %arg7[%dma_wait3A_40, %dma_wait3A_41] : memref<3128x16xf32, #tpu.memory_space<vmem>> -> memref<3032x8xf32, #tpu.memory_space<vmem>>
        tpu.wait_dma2 semaphore(%run_scoped3A : memref<!tpu.dma_semaphore, #tpu.memory_space<semaphore_mem>>) src(%dma_wait3A_42 : memref<3032x8xf32, #tpu.memory_space<vmem>>) dst(%dma_wait3A_39 : memref<3032x8xf32, #tpu.memory_space<hbm>>)
        tpu.yield
      }) : () -> ()
    } else {
    }
    return
  }
}

module attributes {stable_mosaic.version = 14 : i64} {
  func.func @_bessel_kernel(%arg0: i32, %arg1: memref<3x1600x8xf32, #tpu.memory_space<vmem>>, %arg2: memref<1600x128xf32, #tpu.memory_space<vmem>>) attributes {dimension_semantics = [#tpu.dimension_semantics<arbitrary>], iteration_bounds = array<i64: 250>, scalar_prefetch = 0 : i64, scratch_operands = 0 : i64, tpu.core_type = #tpu.core_type<tc>, window_params = [{transform_indices = @transform_0, window_bounds = array<i64: 3, 1600, 8>}, {transform_indices = @transform_1, window_bounds = array<i64: 1600, 128>}]} {
    %get3A = arith.constant 0 : index
    %get3A_0 = arith.constant 0 : index
    %get3A_1 = arith.constant 0 : index
    %get3A_2 = vector.load %arg1[%get3A, %get3A_0, %get3A_1] : memref<3x1600x8xf32, #tpu.memory_space<vmem>>, vector<3x1600x8xf32>
    %slice3A = vector.extract_strided_slice %get3A_2 {offsets = [0, 0, 0], sizes = [1, 1600, 8], strides = [1, 1, 1]} : vector<3x1600x8xf32> to vector<1x1600x8xf32>
    %squeeze3A = vector.shape_cast %slice3A : vector<1x1600x8xf32> to vector<1600x8xf32>
    %slice3A_3 = vector.extract_strided_slice %get3A_2 {offsets = [0, 0, 0], sizes = [1, 1600, 8], strides = [1, 1, 1]} : vector<3x1600x8xf32> to vector<1x1600x8xf32>
    %squeeze3A_4 = vector.shape_cast %slice3A_3 : vector<1x1600x8xf32> to vector<1600x8xf32>
    %mul3A = arith.mulf %squeeze3A, %squeeze3A_4 : vector<1600x8xf32>
    %slice3A_5 = vector.extract_strided_slice %get3A_2 {offsets = [1, 0, 0], sizes = [1, 1600, 8], strides = [1, 1, 1]} : vector<3x1600x8xf32> to vector<1x1600x8xf32>
    %squeeze3A_6 = vector.shape_cast %slice3A_5 : vector<1x1600x8xf32> to vector<1600x8xf32>
    %slice3A_7 = vector.extract_strided_slice %get3A_2 {offsets = [1, 0, 0], sizes = [1, 1600, 8], strides = [1, 1, 1]} : vector<3x1600x8xf32> to vector<1x1600x8xf32>
    %squeeze3A_8 = vector.shape_cast %slice3A_7 : vector<1x1600x8xf32> to vector<1600x8xf32>
    %mul3A_9 = arith.mulf %squeeze3A_6, %squeeze3A_8 : vector<1600x8xf32>
    %add3A = arith.addf %mul3A, %mul3A_9 : vector<1600x8xf32>
    %slice3A_10 = vector.extract_strided_slice %get3A_2 {offsets = [2, 0, 0], sizes = [1, 1600, 8], strides = [1, 1, 1]} : vector<3x1600x8xf32> to vector<1x1600x8xf32>
    %squeeze3A_11 = vector.shape_cast %slice3A_10 : vector<1x1600x8xf32> to vector<1600x8xf32>
    %slice3A_12 = vector.extract_strided_slice %get3A_2 {offsets = [2, 0, 0], sizes = [1, 1600, 8], strides = [1, 1, 1]} : vector<3x1600x8xf32> to vector<1x1600x8xf32>
    %squeeze3A_13 = vector.shape_cast %slice3A_12 : vector<1x1600x8xf32> to vector<1600x8xf32>
    %mul3A_14 = arith.mulf %squeeze3A_11, %squeeze3A_13 : vector<1600x8xf32>
    %add3A_15 = arith.addf %add3A, %mul3A_14 : vector<1600x8xf32>
    %sqrt3A = math.sqrt %add3A_15 : vector<1600x8xf32>
    %mul3A_16 = arith.constant 2.000000e-01 : f32
    %mul3A_17 = vector.broadcast %mul3A_16 : f32 to vector<1600x8xf32>
    %mul3A_18 = arith.mulf %sqrt3A, %mul3A_17 : vector<1600x8xf32>
    %div3A = arith.constant 0.632455527 : f32
    %div3A_19 = vector.broadcast %div3A : f32 to vector<1600x8xf32>
    %div3A_20 = arith.divf %div3A_19, %sqrt3A : vector<1600x8xf32>
    %iota3A = tpu.iota {dimensions = array<i32: 1>} : vector<8x128xi32>
    %iota3A_21 = tpu.iota {dimensions = array<i32: 0>} : vector<8x128xi32>
    %jit3A = arith.constant 16 : i32
    %div3A_22 = vector.broadcast %jit3A : i32 to vector<8x128xi32>
    %div3A_23 = arith.divsi %iota3A, %div3A_22 : vector<8x128xi32>
    %sign3A = arith.constant 0 : i32
    %sign3A_24 = vector.broadcast %sign3A : i32 to vector<8x128xi32>
    %sign3A_25 = arith.cmpi sgt, %iota3A, %sign3A_24 : vector<8x128xi32>
    %sign3A_26 = arith.extui %sign3A_25 : vector<8x128xi1> to vector<8x128xi32>
    %sign3A_27 = arith.constant 0 : i32
    %sign3A_28 = vector.broadcast %sign3A_27 : i32 to vector<8x128xi32>
    %sign3A_29 = arith.cmpi slt, %iota3A, %sign3A_28 : vector<8x128xi32>
    %sign3A_30 = arith.extui %sign3A_29 : vector<8x128xi1> to vector<8x128xi32>
    %sign3A_31 = arith.subi %sign3A_26, %sign3A_30 : vector<8x128xi32>
    %sign3A_32 = arith.constant 0 : i32
    %sign3A_33 = arith.cmpi sgt, %jit3A, %sign3A_32 : i32
    %sign3A_34 = arith.extui %sign3A_33 : i1 to i32
    %sign3A_35 = arith.constant 0 : i32
    %sign3A_36 = arith.cmpi slt, %jit3A, %sign3A_35 : i32
    %sign3A_37 = arith.extui %sign3A_36 : i1 to i32
    %sign3A_38 = arith.subi %sign3A_34, %sign3A_37 : i32
    %ne3A = vector.broadcast %sign3A_38 : i32 to vector<8x128xi32>
    %ne3A_39 = arith.cmpi ne, %sign3A_31, %ne3A : vector<8x128xi32>
    %rem3A = vector.broadcast %jit3A : i32 to vector<8x128xi32>
    %rem3A_40 = arith.remsi %iota3A, %rem3A : vector<8x128xi32>
    %ne3A_41 = arith.constant 0 : i32
    %ne3A_42 = vector.broadcast %ne3A_41 : i32 to vector<8x128xi32>
    %ne3A_43 = arith.cmpi ne, %rem3A_40, %ne3A_42 : vector<8x128xi32>
    %and3A = arith.andi %ne3A_39, %ne3A_43 : vector<8x128xi1>
    %sub3A = arith.constant 1 : i32
    %sub3A_44 = vector.broadcast %sub3A : i32 to vector<8x128xi32>
    %sub3A_45 = arith.subi %div3A_23, %sub3A_44 : vector<8x128xi32>
    %select_n3A = arith.select %and3A, %sub3A_45, %div3A_23 : vector<8x128xi1>, vector<8x128xi32>
    %eq3A = arith.cmpi eq, %select_n3A, %iota3A_21 : vector<8x128xi32>
    %convert_element_type3A = arith.extui %eq3A : vector<8x128xi1> to vector<8x128xi32>
    %convert_element_type3A_46 = arith.sitofp %convert_element_type3A : vector<8x128xi32> to vector<8x128xf32>
    %jit3A_47 = arith.constant 16 : i32
    %eq3A_48 = arith.constant 0 : i32
    %eq3A_49 = arith.cmpi eq, %jit3A_47, %eq3A_48 : i32
    %jit3A_50 = arith.constant 1 : i32
    %select_n3A_51 = arith.select %eq3A_49, %jit3A_50, %jit3A_47 : i32
    %rem3A_52 = vector.broadcast %select_n3A_51 : i32 to vector<8x128xi32>
    %rem3A_53 = arith.remsi %iota3A, %rem3A_52 : vector<8x128xi32>
    %ne3A_54 = arith.constant 0 : i32
    %ne3A_55 = vector.broadcast %ne3A_54 : i32 to vector<8x128xi32>
    %ne3A_56 = arith.cmpi ne, %rem3A_53, %ne3A_55 : vector<8x128xi32>
    %lt3A = arith.constant 0 : i32
    %lt3A_57 = vector.broadcast %lt3A : i32 to vector<8x128xi32>
    %lt3A_58 = arith.cmpi slt, %rem3A_53, %lt3A_57 : vector<8x128xi32>
    %lt3A_59 = arith.constant 0 : i32
    %lt3A_60 = arith.cmpi slt, %select_n3A_51, %lt3A_59 : i32
    %ne3A_61 = vector.broadcast %lt3A_60 : i1 to vector<8x128xi1>
    %ne3A_62 = vector.broadcast %ne3A_61 : vector<8x128xi1> to vector<8x128xi1>
    %ne3A_63 = arith.xori %lt3A_58, %ne3A_62 : vector<8x128xi1>
    %and3A_64 = arith.andi %ne3A_63, %ne3A_56 : vector<8x128xi1>
    %add3A_65 = vector.broadcast %select_n3A_51 : i32 to vector<8x128xi32>
    %add3A_66 = arith.addi %rem3A_53, %add3A_65 : vector<8x128xi32>
    %select_n3A_67 = arith.select %and3A_64, %add3A_66, %rem3A_53 : vector<8x128xi1>, vector<8x128xi32>
    %add3A_68 = arith.constant 1 : i32
    %add3A_69 = vector.broadcast %add3A_68 : i32 to vector<8x128xi32>
    %add3A_70 = arith.addi %select_n3A_67, %add3A_69 : vector<8x128xi32>
    %convert_element_type3A_71 = arith.sitofp %add3A_70 : vector<8x128xi32> to vector<8x128xf32>
    %mul3A_72 = arith.mulf %convert_element_type3A_46, %convert_element_type3A_71 : vector<8x128xf32>
    %dot_general3A = arith.constant dense<0.000000e+00> : vector<1600x128xf32>
    %dot_general3A_73 = tpu.matmul %mul3A_18, %mul3A_72, %dot_general3A {dimension_numbers = #tpu.dot_dimension_numbers<[1], [0], [0], [1], [0, 0, 1, 1], [], []>, precision = #tpu.contract_precision<fp32>, transpose_lhs_hint = false} : vector<1600x8xf32>, vector<8x128xf32>, vector<1600x128xf32> -> vector<1600x128xf32>
    %dot_general3A_74 = arith.constant dense<0.000000e+00> : vector<1600x128xf32>
    %dot_general3A_75 = tpu.matmul %div3A_20, %convert_element_type3A_46, %dot_general3A_74 {dimension_numbers = #tpu.dot_dimension_numbers<[1], [0], [0], [1], [0, 0, 1, 1], [], []>, precision = #tpu.contract_precision<fp32>, transpose_lhs_hint = false} : vector<1600x8xf32>, vector<8x128xf32>, vector<1600x128xf32> -> vector<1600x128xf32>
    %mul3A_76 = arith.constant 5.000000e-01 : f32
    %mul3A_77 = vector.broadcast %mul3A_76 : f32 to vector<1600x128xf32>
    %mul3A_78 = arith.mulf %dot_general3A_73, %mul3A_77 : vector<1600x128xf32>
    %round3A = math.roundeven %mul3A_78 : vector<1600x128xf32>
    %mul3A_79 = arith.constant 2.000000e+00 : f32
    %mul3A_80 = vector.broadcast %mul3A_79 : f32 to vector<1600x128xf32>
    %mul3A_81 = arith.mulf %mul3A_80, %round3A : vector<1600x128xf32>
    %sub3A_82 = arith.subf %dot_general3A_73, %mul3A_81 : vector<1600x128xf32>
    %mul3A_83 = arith.mulf %sub3A_82, %sub3A_82 : vector<1600x128xf32>
    %mul3A_84 = arith.constant -6.140820e-03 : f32
    %mul3A_85 = vector.broadcast %mul3A_84 : f32 to vector<1600x128xf32>
    %mul3A_86 = arith.mulf %mul3A_85, %mul3A_83 : vector<1600x128xf32>
    %add3A_87 = arith.constant 0.0808661207 : f32
    %add3A_88 = vector.broadcast %add3A_87 : f32 to vector<1600x128xf32>
    %add3A_89 = arith.addf %mul3A_86, %add3A_88 : vector<1600x128xf32>
    %mul3A_90 = arith.mulf %add3A_89, %mul3A_83 : vector<1600x128xf32>
    %add3A_91 = arith.constant -5.986450e-01 : f32
    %add3A_92 = vector.broadcast %add3A_91 : f32 to vector<1600x128xf32>
    %add3A_93 = arith.addf %mul3A_90, %add3A_92 : vector<1600x128xf32>
    %mul3A_94 = arith.mulf %add3A_93, %mul3A_83 : vector<1600x128xf32>
    %add3A_95 = arith.constant 2.55002856 : f32
    %add3A_96 = vector.broadcast %add3A_95 : f32 to vector<1600x128xf32>
    %add3A_97 = arith.addf %mul3A_94, %add3A_96 : vector<1600x128xf32>
    %mul3A_98 = arith.mulf %add3A_97, %mul3A_83 : vector<1600x128xf32>
    %add3A_99 = arith.constant -5.1677022 : f32
    %add3A_100 = vector.broadcast %add3A_99 : f32 to vector<1600x128xf32>
    %add3A_101 = arith.addf %mul3A_98, %add3A_100 : vector<1600x128xf32>
    %mul3A_102 = arith.mulf %add3A_101, %mul3A_83 : vector<1600x128xf32>
    %add3A_103 = arith.constant 3.1415925 : f32
    %add3A_104 = vector.broadcast %add3A_103 : f32 to vector<1600x128xf32>
    %add3A_105 = arith.addf %mul3A_102, %add3A_104 : vector<1600x128xf32>
    %mul3A_106 = arith.mulf %sub3A_82, %add3A_105 : vector<1600x128xf32>
    %mul3A_107 = arith.mulf %mul3A_106, %dot_general3A_75 : vector<1600x128xf32>
    %swap3A = arith.constant 0 : index
    %swap3A_108 = arith.constant 0 : index
    %swap3A_109 = vector.load %arg2[%swap3A, %swap3A_108] : memref<1600x128xf32, #tpu.memory_space<vmem>>, vector<1600x128xf32>
    tpu.vector_store %arg2[%swap3A, %swap3A_108], %mul3A_107 {strides = array<i32>} : memref<1600x128xf32, #tpu.memory_space<vmem>>, vector<1600x128xf32>,
    return
  }
  func.func @transform_0(%arg0: i32) -> (i32, i32, i32) {
    %c0_i32 = arith.constant 0 : i32
    %c0_i32_0 = arith.constant 0 : i32
    %c0_i32_1 = arith.constant 0 : i32
    return %c0_i32, %arg0, %c0_i32_0 : i32, i32, i32
  }
  func.func @transform_1(%arg0: i32) -> (i32, i32) {
    %c0_i32 = arith.constant 0 : i32
    %c0_i32_0 = arith.constant 0 : i32
    return %arg0, %c0_i32 : i32, i32
  }
}

</mosaic_0001>

<sc_bundles>
// kernel: kernel.4.cloned.1.call-start
scs
__scs_entry_jumppad:
0x0: {  	(pc) =	sbr.rel $0x88, $3  }
0x1: {  	(tag) =	ssettag $0x0;
	lr =	simm.s32 $0x1  }
0x2: {  	[smem:$0x3F9D] =	sst lr;
	_ =	strace $0xD0000000  }
0x3: {  	_ = 	snop  }
0x4: {  	_ = 	snop  }
0x5: {  	_ = 	snop  }
0x6: {  	_ = 	snop  }
0x7: {  	_ = 	snop  }
__scs_overlays_trampoline_lowered:
0x8: {  	[smem:$0x3FAC] =	sst s0  }
0x9: {  	[smem:$0x3FAD] =	sst s1  }
0xa: {  	[smem:$0x3FAE] =	sst s2  }
0xb: {  	[smem:$0x3FAF] =	sst s3  }
0xc: {  	[smem:$0x3FB0] =	sst s4  }
0xd: {  	[smem:$0x3FB1] =	sst s5  }
0xe: {  	[smem:$0x3FB2] =	sst s6  }
0xf: {  	[smem:$0x3FB3] =	sst s7  }
0x10: {  	[smem:$0x3FB4] =	sst s8  }
0x11: {  	[smem:$0x3FB5] =	sst s9;
	s0 =	simm.s32 @!p0 $0x0  }
0x12: {  	s1 =	sld [smem:$0x3F9B];
	s0 =	simm.s32 @p0 $0x1  }
0x13: {  	[smem:$0x3FB6] =	sst s0;
	s0 =	simm.s32 @!p1 $0x0  }
0x14: {  	s2 =	sld [smem:$0x3F9A];
	s0 =	simm.s32 @p1 $0x1  }
0x15: {  	[smem:$0x3FB7] =	sst s0;
	s0 =	simm.s32 @!p2 $0x0  }
0x16: {  	s3 =	sld [smem:$0x3FDB];
	s0 =	simm.s32 @p2 $0x1  }
0x17: {  	s4 =	simm.s32 $0x1BF5;
	[smem:$0x3FB9] =	sst s0  }
0x18: {  	s0 =	sld [smem:$0x3F9C];
	_ =	swait.ge [sflag:s4], $0x0  }
0x19: {  	s7 =	sld [smem:$0x3F9D]  }
0x1a: {  	s8 =	sadd.s32 $0xFFFFE003, lr  }
0x1b: {  	s9 =	sadd.s32 $0xFFFFFEF7, lr;
	s5 =	simm.s32 $0xFFFFFFFF;
	p2 =	slt.u32 s8, $0xFFFFF086  }
0x1c: {  	p1 =	slt.u32 s9, $0xF7A;
	s5 =	simm.s32 @!p2 $0x0  }
0x1d: {  	s5 =	simm.s32 @p1 $0x1;
	p0 =	seq.s32 s7, s2  }
0x1e: {  	s7 =	smul.u32 @!p0 $0xF7A, s2;
	p2 =	seq.s32 @!p0 s5, $0x0  }
0x1f: {  	s9 =	smul.u32 $0xF7A, s1;
	s8 =	simm.s32 @!p0 $0x1BF5;
	p2 =	por !p2, p0  }
0x20: {  	[sflag:s8] =	ssyncset.s32 @!p0 $0xFFFFF086;
	s6 =	sadd.s32 @!p0 s3, s7;
	s7 =	simm.s32 @!p0 $0x108  }
0x21: {  	s3 =	sadd.s32 s3, s9;
	s6 =	sadd.s32 @!p0 $0x88, s6;
	s7 =	simm.s32 @p2 $0x1082  }
0x22: {  	[simem:s7], [sflag:s8] =	dma.local @!p0 [hbm:s6], $0xF7A  }
0x23: {  	s9 =	sor.u32 $0xD0000000, s2;
	s6 =	simm.s32 $0x108;
	_ =	swait.ge @!p0 [sflag:s8], $0x0  }
0x24: {  	s3 =	sadd.s32 $0x88, s3;
	s6 =	simm.s32 @!p1 $0x1082;
	[sflag:s4] =	ssyncset.s32 $0xFFFFF086  }
0x25: {  	[simem:s6], [sflag:s4] =	dma.local [hbm:s3], $0xF7A  }
0x26: {  	[smem:$0x3F9D] =	sst s1;
	(tag) =	ssettag s2;
	_ =	strace s9  }
0x27: {  	s1 =	sld [smem:$0x3FAD]  }
0x28: {  	s2 =	sld [smem:$0x3FAE]  }
0x29: {  	s4 =	sld [smem:$0x3FB0]  }
0x2a: {  	p0 =	seq.s32 s5, $0x0;
	s5 =	sld [smem:$0x3FB1]  }
0x2b: {  	s6 =	sld [smem:$0x3FB2]  }
0x2c: {  	s7 =	sld [smem:$0x3FB3]  }
0x2d: {  	s3 =	simm.s32 $0x108;
	s8 =	sld [smem:$0x3FB4]  }
0x2e: {  	s3 =	simm.s32 @!p0 $0x1082;
	s9 =	sld [smem:$0x3FB5]  }
0x2f: {  	lr =	sadd.s32 s0, s3;
	s0 =	sld [smem:$0x3FAC]  }
0x30: {  	s3 =	sld [smem:$0x3FAF]  }
0x31: {  	[smem:$0x3FB8] =	sst s10  }
0x32: {  	s10 =	sld [smem:$0x3FB6];
	_ =	sdelay $0x3  }
0x33: {  	p0 =	seq.s32 s10, $0x1;
	s10 =	sld [smem:$0x3FB8];
	_ =	sdelay $0x3  }
0x34: {  	[smem:$0x3FB8] =	sst s10  }
0x35: {  	s10 =	sld [smem:$0x3FB7];
	_ =	sdelay $0x3  }
0x36: {  	p1 =	seq.s32 s10, $0x1;
	s10 =	sld [smem:$0x3FB8];
	_ =	sdelay $0x3  }
0x37: {  	[smem:$0x3FB8] =	sst s10  }
0x38: {  	s10 =	sld [smem:$0x3FB9]  }
0x39: {  	_ = 	snop;
	(pc) =	sbr.ind lr, $3  }
0x3a: {  	_ = 	snop  }
0x3b: {  	_ = 	snop  }
0x3c: {  	p2 =	seq.s32 s10, $0x1;
	s10 =	sld [smem:$0x3FB8]  }
0x3d: {  	_ =	shalt  }
0x3e: {  	_ =	shalt  }
0x3f: {  	_ =	shalt  }
0x40: {  	_ =	shalt  }
0x41: {  	_ =	shalt  }
0x42: {  	_ =	shalt  }
0x43: {  	_ =	shalt  }
0x44: {  	_ =	shalt  }
0x45: {  	_ =	shalt  }
0x46: {  	_ =	shalt  }
0x47: {  	_ =	shalt  }
0x48: {  	_ =	shalt  }
0x49: {  	_ =	shalt  }
0x4a: {  	_ =	shalt  }
0x4b: {  	_ =	shalt  }
0x4c: {  	_ =	shalt  }
0x4d: {  	_ =	shalt  }
0x4e: {  	_ =	shalt  }
0x4f: {  	_ =	shalt  }
0x50: {  	_ =	shalt  }
0x51: {  	_ =	shalt  }
0x52: {  	_ =	shalt  }
0x53: {  	_ =	shalt  }
0x54: {  	_ =	shalt  }
0x55: {  	_ =	shalt  }
0x56: {  	_ =	shalt  }
0x57: {  	_ =	shalt  }
0x58: {  	_ =	shalt  }
0x59: {  	_ =	shalt  }
0x5a: {  	_ =	shalt  }
0x5b: {  	_ =	shalt  }
0x5c: {  	_ =	shalt  }
0x5d: {  	_ =	shalt  }
0x5e: {  	_ =	shalt  }
0x5f: {  	_ =	shalt  }
0x60: {  	_ =	shalt  }
0x61: {  	_ =	shalt  }
0x62: {  	_ =	shalt  }
0x63: {  	_ =	shalt  }
0x64: {  	_ =	shalt  }
0x65: {  	_ =	shalt  }
0x66: {  	_ =	shalt  }
0x67: {  	_ =	shalt  }
0x68: {  	_ =	shalt  }
0x69: {  	_ =	shalt  }
0x6a: {  	_ =	shalt  }
0x6b: {  	_ =	shalt  }
0x6c: {  	_ =	shalt  }
0x6d: {  	_ =	shalt  }
0x6e: {  	_ =	shalt  }
0x6f: {  	_ =	shalt  }
0x70: {  	_ =	shalt  }
0x71: {  	_ =	shalt  }
0x72: {  	_ =	shalt  }
0x73: {  	_ =	shalt  }
0x74: {  	_ =	shalt  }
0x75: {  	_ =	shalt  }
0x76: {  	_ =	shalt  }
0x77: {  	_ =	shalt  }
0x78: {  	_ =	shalt  }
0x79: {  	_ =	shalt  }
0x7a: {  	_ =	shalt  }
0x7b: {  	_ =	shalt  }
0x7c: {  	_ =	shalt  }
0x7d: {  	_ =	shalt  }
0x7e: {  	_ =	shalt  }
0x7f: {  	_ =	shalt  }
0x80: {  	_ =	shalt  }
0x81: {  	_ =	shalt  }
0x82: {  	_ =	shalt  }
0x83: {  	_ =	shalt  }
0x84: {  	_ =	shalt  }
0x85: {  	_ =	shalt  }
0x86: {  	_ =	shalt  }
0x87: {  	_ =	shalt  }
.Lfunc_end0:
.L_simem_size_0:
called_computation.1_lowered:
.L_overlay_start_0:
0x88: {  	s2 =	sld [smem:$0x3FD9]  }
0x89: {  	s3 =	sld [smem:$0x3FFE];
	_ =	sdelay $0x1  }
0x8a: {  	s1 =	srdreg.scid  }
0x8b: {  	s0 =	sand.u32 $0x1, s1  }
0x8c: {  	s14 =	sshll.u32 s0, $0xA;
	s2 =	sadd.s32 s3, s2  }
0x8d: {  	s2 =	sadd.s32 s2, s14  }
0x8e: {  	[smem:$0x3FC4] =	sst s2  }
0x8f: {  	_ = 	snop  }
0x90: {  	s2 =	sld [smem:$0x3FD0];
	_ =	sdelay $0x2  }
0x91: {  	s4 =	simm.s32 $0xB;
	s5 =	simm.s32 $0x10;
	s15 =	sld [smem:$0x3FC9]  }
0x92: {  	[smem:s5], [sflag:s4] =	dma.local [hbm:s2], $0x1  }
0x93: {  	_ =	swait.eq [sflag:s4], $0x1  }
0x94: {  	[sflag:s4] =	ssyncset.done $0x0  }
0x95: {  	s16 =	sld [smem:$0x10];
	[sflag:s4] =	ssyncadd.s32 $0xFFFFFFFF  }
0x96: {  	s17 =	sld [smem:$0x11];
	(tm) =	ssettm $0x1  }
0x97: {  	s18 =	sld [smem:$0x3FFB];
	_ =	sdelay $0x3  }
0x98: {  	_ =	strace s18  }
0x99: {  	s5 =	sld [smem:$0x3FFC];
	_ =	sdelay $0x3  }
0x9a: {  	_ =	strace s5  }
0x9b: {  	s5 =	sld [smem:$0x3FFD];
	_ =	sdelay $0x3  }
0x9c: {  	_ =	strace s5  }
0x9d: {  	_ =	strace $0x8FFFFFFF  }
0x9e: {  	s19 =	sld [smem:$0x3FDB];
	_ =	sdelay $0x1  }
0x9f: {  	s6 =	simm.s32 $_scs_section_size  }
0xa0: {  	s7 =	simm.s32 $_size__tile_overlayer_lowered;
	s8 =	simm.s32 $_tile_overlayer_lowered  }
0xa1: {  	s22 =	simm.s32 $0x1BFF;
	s21 =	sshll.u32 s8, $0x1;
	s5 =	sadd.s32 s6, s19  }
0xa2: {  	s9 =	simm.s32 $0x0;
	s20 =	sshll.u32 s7, $0x1;
	s7 =	sadd.s32 s21, s5  }
0xa3: {  	[timem:s9], [sflag:s22] =	dma.local [hbm:s7], s20  }
0xa4: {  	_ =	swait.ge [sflag:s22], s20  }
0xa5: {  	s6 =	ssub.s32 $0x0, s20;
	[sflag:s22] =	ssyncset.done $0x0  }
0xa6: {  	[sflag:s22] =	ssyncadd.s32 s6;
	_ =	sdelay $0x1  }
0xa7: {  	s23 =	simm.s32 $0x1B8B  }
0xa8: {  	_ =	swait.ge [sflag:s23], $0x1  }
0xa9: {  	[sflag:s23] =	ssyncset.done $0x0  }
0xaa: {  	s25 =	simm.s32 $0x1B8E;
	s24 =	sld [smem:$0x3FFE];
	[sflag:s23] =	ssyncadd.s32 $0xFFFFFFFF  }
0xab: {  	s26 =	simm.s32 $execute0_lowered;
	[smem:$0x3FD2] =	sst s25  }
0xac: {  	s7 =	sshll.u32 s26, $0x1;
	_ =	strace $0x80000046;
	[dreg:$0x1] =	wrdreg $0xFFFFFFFF  }
0xad: {  	s28 =	simm.s32 $_size_execute0_lowered;
	s5 =	sadd.s32 s5, s7;
	[dreg:$0x0] =	wrdreg $0x0  }
0xae: {  	s7 =	sshll.u32 s28, $0x1;
	[dreg:$0x2] =	wrdreg s5  }
0xaf: {  	[dreg:$0x3] =	wrdreg s7  }
0xb0: {  	[dreg:$0x4] =	wrdreg $0xC0  }
0xb1: {  	_ =	task [dreg:s9], $0x5FFFF  }
0xb2: {  	[dreg:$0x1] =	wrdreg $0xFFFFFFFF  }
0xb3: {  	[dreg:$0x0] =	wrdreg $0x60  }
0xb4: {  	[dreg:$0x2] =	wrdreg s24  }
0xb5: {  	[dreg:$0x3] =	wrdreg s15  }
0xb6: {  	[dreg:$0x4] =	wrdreg s16  }
0xb7: {  	[dreg:$0x5] =	wrdreg s17  }
0xb8: {  	[dreg:$0x6] =	wrdreg $0xA  }
0xb9: {  	_ =	task.clear_ibuf [dreg:s9], $0x7FFFF;
	_ =	strace $0x90000046  }
0xba: {  	s29 =	simm.s32 $0xA;
	_ =	strace $0x80000048  }
0xbb: {  	_ =	swait.ge [sflag:s29], $0x1  }
0xbc: {  	[sflag:s29] =	ssyncadd.s32 $0xFFFFFFFF  }
0xbd: {  	_ =	strace $0x90000048  }
0xbe: {  	_ =	sfence  }
0xbf: {  	s30 =	sld [smem:$0x0];
	_ =	sdelay $0x2  }
0xc0: {  	s31 =	sshll.u32 s1, $0xD;
	s1 =	sshrl.u32 s1, $0x2  }
0xc1: {  	s3 =	sand.u32 $0x4000, s31;
	s1 =	sadd.s32 s1, s30  }
0xc2: {  	s0 =	sor.u32 s3, s0;
	s1 =	sshll.u32 s1, $0x11  }
0xc3: {  	s0 =	sor.u32 s1, s0  }
0xc4: {  	s0 =	sadd.s32 $0x8F2B, s0  }
0xc5: {  	[sflag:s0] =	ssyncadd.remote.s32 $0x1  }
0xc6: {  	_ =	sfence.sel $0xFFFF  }
0xc7: {  	[dreg:$0x0] =	wrdreg $0xFFFFFFFF;
	(pc) =	sbr.abs _section_cstart, $3  }
0xc8: {  	[dreg:$0x1] =	wrdreg $0xFFFFFFFF  }
0xc9: {  	_ =	task.clear_ibuf [dreg:s9], $0x2FFFF;
	_ =	strace $0x9FFFFFFF  }
0xca: {  	(tm) =	ssettm $0x7FFFFFFF  }
0xcb: {  	_ =	shalt  }
tec
execute0_lowered:
.L_overlay_start_1:
0x0: {  	(tag) =	ssettag $0x1  }
0x1: {  	s3 =	rddreg [dreg:$0x0]  }
0x2: {  	s7 =	rddreg [dreg:$0x1]  }
0x3: {  	s8 =	rddreg [dreg:$0x2]  }
0x4: {  	s1 =	srdreg.scid;
	s0 =	stileid.u32  }
0x5: {  	s9 =	rddreg [dreg:$0x3];
	s4 =	sand.u32 $0x1, s1;
	s2 =	sshll.u32 s0, $0x1  }
0x6: {  	s13 =	simm.s32 $0x1;
	s14 =	simm.s32 $0x0;
	s11 =	sor.u32 s4, s2  }
0x7: {  	s1 =	rddreg [dreg:$0x4];
	s3 =	sadd.s32 $0xC00, s3;
	s5 =	smul.u32 $0x187, s11  }
0x8: {  	s2 =	simm.s32 $0x0;
	s4 =	ssub.s32 $0x2, s4;
	s10 =	smul.u32 $0xC38, s11  }
.Ltmp0:
0x9: {  	[smem:$0x7FF] =	sst s2;
	s6 =	sshrl.u32 s4, $0x1;
	(pc) =	sbr.rel .LBB2_1-.Ltmp0, $4  }
0xa: {  	p0 =	seq.s32 s11, $0x1F;
	s11 =	simm.s32 $0x2;
	_ =	strace $0x80000047  }
0xb: {  	s12 =	ssub.s32 s4, s6;
	s4 =	sadd.s32 s7, s5;
	s5 =	sadd.s32 s8, s10  }
0xc: {  	s6 =	sadd.s32 s9, s10;
	s7 =	sadd.s32 $0x2F59, s7;
	s8 =	sadd.s32 $0x17AC8, s8  }
0xd: {  	s9 =	sadd.s32 $0x17AC8, s9;
	s10 =	smax.u32 s12, $0x1;
	s12 =	simm.s32 $0xBD8  }
.LBB2_11:
0xe: {  	[hbm4b:s18+s2] =	stream.linear.scatter [tilespmem:s15], [sflag:$0x2], $0x8, $0x38;
	[tilespmem:$0xCFB8] =	vst v63  }
0xf: {  	_ =	swait.ge [sflag:s11], $0x5EC0  }
0x10: {  	[sflag:s11] =	ssyncset.done $0x0  }
0x11: {  	[sflag:s11] =	ssyncadd.s32 $0xFFFFA140  }
.LBB2_12:
0x12: {  	s14 =	sadd.s32 $0x1, s14  }
0x13: {  	p1 =	sne.s32 s14, s10  }
.Ltmp1:
0x14: {  	_ = 	snop;
	(pc) =	sbr.rel @!p1 .LBB2_13-.Ltmp1, $1  }
0x15: {  	_ =	sdelay $0x3  }
.LBB2_1:
.Ltmp2:
0x16: {  	(pc) =	sbr.rel @!p0 .LBB2_2-.Ltmp2, $2  }
0x17: {  	_ =	sdelay $0x2  }
0x18: {  	s16 =	simm.s32 $0x0  }
0x19: {  	[tilespmem:s16], [sflag:$0x2] =	stream.linear.gather [hbm4b:s7+s16], $0xBD8, $0x38;
	[tilespmem:$0xCFB8] =	vst v63  }
0x1a: {  	_ =	swait.ge [sflag:s11], $0xBD8  }
0x1b: {  	[sflag:s11] =	ssyncset.done $0x0  }
0x1c: {  	s15 =	simm.s32 $0xC38;
	[sflag:s11] =	ssyncadd.s32 $0xFFFFF428  }
0x1d: {  	[tilespmem:s15], [sflag:$0x1] =	stream.indirect.gather [hbm4b:s3+s12], $0x10, s16, s12, $0xb8;
	[tilespmem:$0xCFB8] =	vst v63  }
0x1e: {  	_ =	swait.ge [sflag:s13], $0xBD80  }
0x1f: {  	s18 =	sadd.s32 $0x0, s8;
	[sflag:s13] =	ssyncset.done $0x0  }
0x20: {  	s17 =	simm.s32 $0xC48;
	s16 =	simm.s32 $0x1;
	[sflag:s13] =	ssyncadd.s32 $0xFFFF4280  }
.LBB2_8:
0x21: {  	[hbm4b:s18+s2] =	stream.linear.scatter [tilespmem:s15], [sflag:$0x2], $0x8, $0x38;
	[tilespmem:$0xCFB8] =	vst v63  }
0x22: {  	s18 =	smov.u32 s16;
	s15 =	smov.u32 s17;
	p1 =	sne.s32 s16, $0xBD7  }
.Ltmp3:
0x23: {  	s16 =	sadd.s32 $0x1, s16;
	(pc) =	sbr.rel @p1 .LBB2_8-.Ltmp3, $2  }
0x24: {  	_ =	sdelay $0x2  }
0x25: {  	s17 =	sadd.s32 $0x10, s17;
	s18 =	sadd.s32 s18, s8  }
0x26: {  	[hbm4b:s18+s2] =	stream.linear.scatter [tilespmem:s15], [sflag:$0x2], $0x8, $0x38;
	[tilespmem:$0xCFB8] =	vst v63  }
0x27: {  	_ =	swait.ge [sflag:s11], $0x5EC0  }
0x28: {  	s15 =	simm.s32 $0xC40;
	s16 =	simm.s32 $0x1;
	[sflag:s11] =	ssyncset.done $0x0  }
0x29: {  	s18 =	sadd.s32 $0x0, s9;
	s17 =	simm.s32 $0xC50;
	[sflag:s11] =	ssyncadd.s32 $0xFFFFA140  }
.LBB2_10:
0x2a: {  	[hbm4b:s18+s2] =	stream.linear.scatter [tilespmem:s15], [sflag:$0x2], $0x8, $0x38;
	[tilespmem:$0xCFB8] =	vst v63  }
0x2b: {  	s18 =	smov.u32 s16;
	s15 =	smov.u32 s17;
	p1 =	sne.s32 s16, $0xBD7  }
.Ltmp4:
0x2c: {  	s16 =	sadd.s32 $0x1, s16;
	(pc) =	sbr.rel @p1 .LBB2_10-.Ltmp4, $2  }
0x2d: {  	_ =	sdelay $0x2  }
0x2e: {  	s17 =	sadd.s32 $0x10, s17;
	s18 =	sadd.s32 s18, s9  }
.Ltmp5:
0x2f: {  	_ = 	snop;
	(pc) =	sbr.rel .LBB2_11-.Ltmp5, $1  }
0x30: {  	_ =	sdelay $0x3  }
.LBB2_2:
0x31: {  	[tilespmem:s16], [sflag:$0x2] =	stream.linear.gather [hbm4b:s4+s16], $0xC38, $0x38;
	[tilespmem:$0xCFB8] =	vst v63  }
0x32: {  	_ =	swait.ge [sflag:s11], $0xC38  }
0x33: {  	[sflag:s11] =	ssyncset.done $0x0  }
0x34: {  	s15 =	simm.s32 $0xC38;
	[sflag:s11] =	ssyncadd.s32 $0xFFFFF3C8  }
0x35: {  	[tilespmem:s15], [sflag:$0x1] =	stream.indirect.gather [hbm4b:s3+s15], $0x10, s16, s15, $0xb8;
	[tilespmem:$0xCFB8] =	vst v63  }
0x36: {  	_ =	swait.ge [sflag:s13], $0xC380  }
0x37: {  	s18 =	sadd.s32 $0x0, s5;
	[sflag:s13] =	ssyncset.done $0x0  }
0x38: {  	s17 =	simm.s32 $0xC48;
	s16 =	simm.s32 $0x1;
	[sflag:s13] =	ssyncadd.s32 $0xFFFF3C80  }
.LBB2_3:
0x39: {  	[hbm4b:s18+s2] =	stream.linear.scatter [tilespmem:s15], [sflag:$0x2], $0x8, $0x38;
	[tilespmem:$0xCFB8] =	vst v63  }
0x3a: {  	s18 =	smov.u32 s16;
	s15 =	smov.u32 s17;
	p1 =	sne.s32 s16, $0xC37  }
.Ltmp6:
0x3b: {  	s16 =	sadd.s32 $0x1, s16;
	(pc) =	sbr.rel @p1 .LBB2_3-.Ltmp6, $2  }
0x3c: {  	_ =	sdelay $0x2  }
0x3d: {  	s17 =	sadd.s32 $0x10, s17;
	s18 =	sadd.s32 s18, s5  }
0x3e: {  	[hbm4b:s18+s2] =	stream.linear.scatter [tilespmem:s15], [sflag:$0x2], $0x8, $0x38;
	[tilespmem:$0xCFB8] =	vst v63  }
0x3f: {  	_ =	swait.ge [sflag:s11], $0x61C0  }
0x40: {  	s15 =	simm.s32 $0xC40;
	s16 =	simm.s32 $0x1;
	[sflag:s11] =	ssyncset.done $0x0  }
0x41: {  	s18 =	sadd.s32 $0x0, s6;
	s17 =	simm.s32 $0xC50;
	[sflag:s11] =	ssyncadd.s32 $0xFFFF9E40  }
.LBB2_5:
0x42: {  	[hbm4b:s18+s2] =	stream.linear.scatter [tilespmem:s15], [sflag:$0x2], $0x8, $0x38;
	[tilespmem:$0xCFB8] =	vst v63  }
0x43: {  	s18 =	smov.u32 s16;
	s15 =	smov.u32 s17;
	p1 =	sne.s32 s16, $0xC37  }
.Ltmp7:
0x44: {  	s16 =	sadd.s32 $0x1, s16;
	(pc) =	sbr.rel @p1 .LBB2_5-.Ltmp7, $2  }
0x45: {  	_ =	sdelay $0x2  }
0x46: {  	s17 =	sadd.s32 $0x10, s17;
	s18 =	sadd.s32 s18, s6  }
.Ltmp8:
0x47: {  	(pc) =	sbr.rel .LBB2_12-.Ltmp8, $4  }
0x48: {  	[hbm4b:s18+s2] =	stream.linear.scatter [tilespmem:s15], [sflag:$0x2], $0x8, $0x38;
	[tilespmem:$0xCFB8] =	vst v63  }
0x49: {  	_ =	swait.ge [sflag:s11], $0x61C0  }
0x4a: {  	[sflag:s11] =	ssyncset.done $0x0  }
0x4b: {  	[sflag:s11] =	ssyncadd.s32 $0xFFFF9E40  }
.LBB2_13:
0x4c: {  	_ =	sfence.sel $0x180000  }
0x4d: {  	[bflag:$0x0] =	sbarrier.arrive $0xFFFF  }
0x4e: {  	p0 =	sne.s32 s0, $0x0;
	_ =	strace $0x90000047  }
0x4f: {  	s0 =	sadd.s32 @!p0 $0x100000, s1;
	[bflag:$0x2] =	sbarrier.arrive $0xFFFF  }
0x50: {  	[sflag:s0] =	ssyncadd.tile.s32 @!p0 $0x1;
	_ =	shalt  }
.Lfunc_end2:
_tile_overlayer_lowered:
.L_overlay_start_2:
0x51: {  	(tag) =	ssettag $0x2  }
0x52: {  	s0 =	rddreg [dreg:$0x0];
	s2 =	stileid.u32  }
0x53: {  	s1 =	rddreg [dreg:$0x1];
	p0 =	sne.s32 s2, $0x0  }
0x54: {  	s3 =	rddreg [dreg:$0x2];
	[bflag:$0x3] =	sbarrier.arrive $0xFFFF;
	s2 =	simm.s32 @!p0 $0x1C02  }
0x55: {  	[timem:s3], [sflag:s2] =	dma.local @!p0 [hbm:s0], s1  }
0x56: {  	s0 =	simm.s32 @!p0 $0x2  }
0x57: {  	_ =	swait.ge @!p0 [sflag:s0], s1  }
0x58: {  	s1 =	ssub.s32 @!p0 $0x0, s1;
	[sflag:s0] =	ssyncset.done @!p0 $0x0  }
0x59: {  	[sflag:s0] =	ssyncadd.s32 @!p0 s1  }
0x5a: {  	[bflag:$0x3] =	sbarrier.arrive $0xFFFF  }
0x5b: {  	_ =	shalt  }

// kernel: sparse-core-data-format-call.cloned.1.call-start
scs
called_computation_lowered:
.L_overlay_start_0:
0x0: {  	s2 =	sld [smem:$0x3FD9]  }
0x1: {  	s3 =	sld [smem:$0x3FFE];
	_ =	sdelay $0x1  }
0x2: {  	s1 =	srdreg.scid  }
0x3: {  	s0 =	sand.u32 $0x1, s1  }
0x4: {  	s16 =	sshll.u32 s0, $0xA;
	s2 =	sadd.s32 s3, s2  }
0x5: {  	s2 =	sadd.s32 s2, s16  }
0x6: {  	[smem:$0x3FC4] =	sst s2  }
0x7: {  	_ = 	snop  }
0x8: {  	s2 =	sld [smem:$0x3FD0];
	_ =	sdelay $0x2  }
0x9: {  	s17 =	simm.s32 $0xB;
	s4 =	simm.s32 $0x10  }
0xa: {  	[smem:s4], [sflag:s17] =	dma.local [hbm:s2], $0x1  }
0xb: {  	_ =	swait.eq [sflag:s17], $0x1  }
0xc: {  	[sflag:s17] =	ssyncset.done $0x0  }
0xd: {  	[sflag:s17] =	ssyncadd.s32 $0xFFFFFFFF  }
0xe: {  	s18 =	sld [smem:$0x12];
	(tm) =	ssettm $0x1  }
0xf: {  	s19 =	sld [smem:$0x3FFB];
	_ =	sdelay $0x3  }
0x10: {  	_ =	strace s19  }
0x11: {  	s2 =	sld [smem:$0x3FFC];
	_ =	sdelay $0x3  }
0x12: {  	_ =	strace s2  }
0x13: {  	s2 =	sld [smem:$0x3FFD];
	_ =	sdelay $0x3  }
0x14: {  	_ =	strace s2  }
0x15: {  	_ =	strace $0x8FFFFFFF  }
0x16: {  	s20 =	sld [smem:$0x3FDB];
	_ =	sdelay $0x1  }
0x17: {  	s21 =	simm.s32 $_scs_section_size  }
0x18: {  	s5 =	simm.s32 $_size__tile_overlayer_lowered;
	s6 =	simm.s32 $_tile_overlayer_lowered  }
0x19: {  	s7 =	simm.s32 $0x1BFF;
	s22 =	sshll.u32 s6, $0x1;
	s4 =	sadd.s32 s21, s20  }
0x1a: {  	s23 =	simm.s32 $0x0;
	s5 =	sshll.u32 s5, $0x1;
	s6 =	sadd.s32 s22, s4  }
0x1b: {  	[timem:s23], [sflag:s7] =	dma.local [hbm:s6], s5  }
0x1c: {  	_ =	swait.ge [sflag:s7], s5  }
0x1d: {  	s5 =	ssub.s32 $0x0, s5;
	[sflag:s7] =	ssyncset.done $0x0  }
0x1e: {  	[sflag:s7] =	ssyncadd.s32 s5;
	_ =	sdelay $0x1  }
0x1f: {  	s24 =	simm.s32 $0x1B8B  }
0x20: {  	_ =	swait.ge [sflag:s24], $0x1  }
0x21: {  	[sflag:s24] =	ssyncset.done $0x0  }
0x22: {  	[sflag:s24] =	ssyncadd.s32 $0xFFFFFFFF  }
0x23: {  	s5 =	sld [smem:$0x0]  }
0x24: {  	s6 =	sand.u32 $0xFFFFFFFE, s1  }
0x25: {  	p0 =	sne.s32 s1, s6  }
0x26: {  	s6 =	sshll.u32 @p0 s6, $0xE  }
0x27: {  	s6 =	sadd.s32 @p0 $0x11B8D, s6;
	s7 =	sshll.u32 @p0 s5, $0x11  }
0x28: {  	s6 =	sor.u32 @p0 s7, s6  }
0x29: {  	[sflag:s6] =	ssyncadd.remote.s32 @p0 $0x1;
	_ =	sdelay $0x1  }
0x2a: {  	s6 =	simm.s32 @p0 $0x1B8D  }
0x2b: {  	_ =	swait.eq @p0 [sflag:s6], $0x1  }
0x2c: {  	[sflag:s6] =	ssyncadd.s32 @p0 $0xFFFFFFFF  }
0x2d: {  	s7 =	sshll.u32 @!p0 s1, $0xE  }
0x2e: {  	s7 =	sor.u32 @!p0 $0x4000, s7;
	s6 =	simm.s32 @!p0 $0x1B8D  }
0x2f: {  	s5 =	sshll.u32 @!p0 s5, $0x11;
	s7 =	sadd.s32 @!p0 $0x11B8D, s7;
	_ =	swait.eq @!p0 [sflag:s6], $0x1  }
0x30: {  	s5 =	sor.u32 @!p0 s5, s7;
	[sflag:s6] =	ssyncadd.s32 @!p0 $0xFFFFFFFF  }
0x31: {  	s26 =	simm.s32 $0x1B8E;
	s25 =	sld [smem:$0x3FFE];
	[sflag:s5] =	ssyncadd.remote.s32 @!p0 $0x1  }
0x32: {  	s27 =	simm.s32 $execute0_lowered;
	[smem:$0x3FD2] =	sst s26  }
0x33: {  	s6 =	sshll.u32 s27, $0x1;
	_ =	strace $0x80000049;
	[dreg:$0x1] =	wrdreg $0xFFFFFFFF  }
0x34: {  	s28 =	simm.s32 $_size_execute0_lowered;
	s4 =	sadd.s32 s4, s6;
	[dreg:$0x0] =	wrdreg $0x0  }
0x35: {  	s6 =	sshll.u32 s28, $0x1;
	[dreg:$0x2] =	wrdreg s4  }
0x36: {  	[dreg:$0x3] =	wrdreg s6  }
0x37: {  	[dreg:$0x4] =	wrdreg $0xC0  }
0x38: {  	_ =	task [dreg:s23], $0x5FFFF  }
0x39: {  	[dreg:$0x1] =	wrdreg $0xFFFFFFFF  }
0x3a: {  	[dreg:$0x0] =	wrdreg $0x60  }
0x3b: {  	[dreg:$0x2] =	wrdreg s25  }
0x3c: {  	[dreg:$0x3] =	wrdreg s18  }
0x3d: {  	[dreg:$0x4] =	wrdreg $0x9  }
0x3e: {  	_ =	task.clear_ibuf [dreg:s23], $0x5FFFF;
	_ =	strace $0x90000049  }
0x3f: {  	s29 =	simm.s32 $0x9;
	_ =	strace $0x8000004B  }
0x40: {  	_ =	swait.ge [sflag:s29], $0x1  }
0x41: {  	[sflag:s29] =	ssyncadd.s32 $0xFFFFFFFF  }
0x42: {  	_ =	strace $0x9000004B  }
0x43: {  	_ =	sfence  }
0x44: {  	s30 =	sld [smem:$0x0];
	_ =	sdelay $0x2  }
0x45: {  	s31 =	sshll.u32 s1, $0xD;
	s1 =	sshrl.u32 s1, $0x2  }
0x46: {  	s4 =	sand.u32 $0x4000, s31;
	s1 =	sadd.s32 s1, s30  }
0x47: {  	s0 =	sor.u32 s4, s0;
	s1 =	sshll.u32 s1, $0x11  }
0x48: {  	s0 =	sor.u32 s1, s0  }
0x49: {  	s0 =	sadd.s32 $0x8F2B, s0  }
0x4a: {  	[sflag:s0] =	ssyncadd.remote.s32 $0x1  }
0x4b: {  	_ =	sfence.sel $0xFFFF  }
0x4c: {  	[dreg:$0x0] =	wrdreg $0xFFFFFFFF;
	(pc) =	sbr.abs _section_cstart, $3  }
0x4d: {  	[dreg:$0x1] =	wrdreg $0xFFFFFFFF  }
0x4e: {  	_ =	task.clear_ibuf [dreg:s23], $0x2FFFF;
	_ =	strace $0x9FFFFFFF  }
0x4f: {  	(tm) =	ssettm $0x7FFFFFFF  }
tec
execute0_lowered:
.L_overlay_start_1:
0x0: {  	(tag) =	ssettag $0x1  }
0x1: {  	s0 =	srdreg.scid  }
0x2: {  	s1 =	sshll.u32 s0, $0x4  }
0x3: {  	s4 =	rddreg [dreg:$0x0];
	s0 =	stileid.u32;
	s1 =	sand.u32 $0x10, s1  }
0x4: {  	s2 =	rddreg [dreg:$0x1];
	s7 =	simm.s32 $0x1;
	s1 =	sor.u32 s0, s1  }
0x5: {  	s8 =	simm.s32 $0x2;
	s11 =	simm.s32 $0x0;
	s3 =	sshll.u32 s1, $0x7  }
0x6: {  	s10 =	simm.s32 $0x0;
	s4 =	sadd.s32 $0xE00, s4;
	s6 =	ssub.s32 $0x30D400, s3  }
.Ltmp0:
0x7: {  	s1 =	rddreg [dreg:$0x2];
	s5 =	sand.u32 $0xF80, s6;
	(pc) =	sbr.rel .LBB1_1-.Ltmp0, $4  }
0x8: {  	_ =	strace $0x8000004A;
	s9 =	smov.u32 s3;
	p0 =	sne.s32 s5, $0x0  }
0x9: {  	s6 =	sshrl.u32 s6, $0xC;
	s5 =	simm.s32 $0x1;
	s7 =	simm.s32 @!p0 $0x0  }
0xa: {  	[sflag:s5] =	ssyncpa.u1 $0x0;
	p0 =	por $0x0, $0x0;
	s6 =	sadd.s32 s7, s6  }
0xb: {  	[sflag:s8] =	ssyncpa.u1 $0x0;
	s8 =	simm.s32 $0x186A000;
	s7 =	sadd.s32 $0x1, s6  }
.LBB1_4:
0xc: {  	s14 =	sshll.u32 s11, $0x3  }
0xd: {  	s15 =	sshrl.u32 s14, $0xA  }
0xe: {  	s15 =	smulhi.u32 $0x53E2D7, s15;
	_ =	sdelay $0x1  }
0xf: {  	s15 =	sshrl.u32 s15, $0x2  }
0x10: {  	s28 =	sand.u32 $0x7F, s11;
	s14 =	sand.u32 $0xFFFFFC00, s14;
	s16 =	smul.u32 $0x30D400, s15  }
0x11: {  	[tilespmem:s12+$0xFFFFFFFC ss:$0x81] =	vst.msk $0xffff, v1;
	s11 =	sor.u32 s28, s14;
	s29 =	sand.u32 $0xF, s15  }
0x12: {  	[tilespmem:s12+$0xFFFFFFFD ss:$0x81] =	vst.msk $0xffff, v2;
	s14 =	smul.u32 $0x61A80, s29;
	s11 =	ssub.s32 s11, s16  }
0x13: {  	[tilespmem:s12+$0xFFFFFFFE ss:$0x81] =	vst.msk $0xffff, v0;
	s30 =	sand.u32 $0x7, s11  }
0x14: {  	[tilespmem:s12+$0xFFFFFFFF ss:$0x81] =	vst.msk $0xffff, v4;
	s11 =	sshrl.u32 s11, $0x3;
	s14 =	sadd.s32 s2, s14;
	s15 =	sshll.u32 s30, $0x12  }
0x15: {  	[tilespmem:s12+$0xFFFFFFF9 ss:$0x81] =	vst.msk $0xffff, v3;
	s11 =	sadd.s32 s11, s14;
	s31 =	sor.u32 $0x400, s15  }
0x16: {  	[hbm4b:s11+s31] =	stream.strided.scatter [tilespmem:s13], [sflag:$0x2], $0x800, s8, s31, $0x20;
	[tilespmem:$0x2020] =	vst v63  }
.LBB1_5:
0x17: {  	s13 =	sadd.s32 $0x1000, s9  }
0x18: {  	p2 =	sgt.s32 s13, $0x30D3FF  }
0x19: {  	s13 =	smov.u32 @p2 s3;
	p2 =	sne.s32 s10, s7  }
.Ltmp1:
0x1a: {  	p1 =	slt.u32 s10, $0x2;
	(pc) =	sbr.rel @!p2 .LBB1_6-.Ltmp1, $4  }
0x1b: {  	s12 =	simm.s32 @!p1 $0x2  }
0x1c: {  	s14 =	sadd.s32 $0x1, s10;
	_ =	swait.ge @!p1 [sflag:s12], $0x800  }
0x1d: {  	s11 =	smov.u32 s9;
	p0 =	por !p0, !p0;
	[sflag:s12] =	ssyncset.done @!p1 $0x0  }
0x1e: {  	s10 =	smov.u32 s14;
	s9 =	smov.u32 s13;
	[sflag:s12] =	ssyncadd.s32 @!p1 $0xFFFFF800  }
.LBB1_1:
0x1f: {  	p1 =	sge.u32 s10, s6  }
0x20: {  	s12 =	sand.u32 @!p1 $0x1FFFFFF, s9  }
0x21: {  	s13 =	smulhi.u32 @!p1 $0x14F8B59, s12;
	_ =	sdelay $0x1  }
0x22: {  	s13 =	sshrl.u32 @!p1 s13, $0xE  }
0x23: {  	s13 =	smul.u32 @!p1 $0x30D400, s13;
	_ =	sdelay $0x1  }
0x24: {  	s31 =	sadd.s32 $0xFFFFFFFF, s10;
	s14 =	sxor.u32 @!p1 $0xFFFFFFFF, s10;
	s12 =	ssub.s32 @!p1 s12, s13  }
0x25: {  	s15 =	simm.s32 @!p1 $0x80;
	s14 =	sshll.u32 @!p1 s14, $0xB;
	s12 =	sshll.u32 @!p1 s12, $0x4  }
0x26: {  	s13 =	sand.u32 @!p1 $0x800, s14;
	s14 =	simm.s32 @!p1 $0x10;
	s12 =	sadd.s32 @!p1 s4, s12  }
0x27: {  	[tilespmem:s13], [sflag:$0x1] =	stream.strided.gather @!p1 [hbm4b:s12+s14], $0x800, s15, s14, $0x38;
	[tilespmem:$0x2020] =	vst v63  }
0x28: {  	p1 =	sge.u32 s31, s6  }
.Ltmp2:
0x29: {  	_ = 	snop;
	(pc) =	sbr.rel @p1 .LBB1_5-.Ltmp2, $1  }
0x2a: {  	_ =	sdelay $0x3  }
0x2b: {  	s12 =	simm.s32 $0x1  }
0x2c: {  	_ =	swait.ge [sflag:s5], $0x800;
	s12 =	simm.s32 @!p0 $0x0  }
0x2d: {  	[sflag:s5] =	ssyncset.done $0x0;
	s13 =	sshll.u32 s12, $0xB  }
0x2e: {  	[sflag:s5] =	ssyncadd.s32 $0xFFFFF800;
	s15 =	sor.u32 $0x40, s13  }
0x2f: {  	v3 =	vld [tilespmem:s15+$0x30]  }
0x30: {  	s12 =	smul.u32 $0x2040, s12;
	v4 =	vld [tilespmem:s15+$0xFFFFFFD0]  }
0x31: {  	v5 =	vld [tilespmem:s15+$0xFFFFFFE0]  }
0x32: {  	s31 =	sand.u32 $0x1, s10;
	s12 =	sshrl.u32 s12, $0x2;
	v1 =	vld [tilespmem:s15+$0xFFFFFFF0]  }
0x33: {  	s13 =	smul.u32 $0x2040, s31;
	v2 =	vld [tilespmem:s15+$0x0];
	s12 =	sor.u32 $0x1007, s12  }
0x34: {  	v0 =	vld [tilespmem:s15+$0x10];
	[tilespmem:s12+$0x0 ss:$0x81] =	vst.msk $0xffff, v3  }
0x35: {  	s13 =	sshrl.u32 s13, $0x2;
	[tilespmem:s12+$0xFFFFFFFA ss:$0x81] =	vst.msk $0xffff, v4;
	v4 =	vld [tilespmem:s15+$0x20]  }
0x36: {  	s14 =	simm.s32 $0x0;
	s13 =	sor.u32 $0x1000, s13;
	v3 =	vld [tilespmem:s15+$0xFFFFFFC0];
	[tilespmem:s12+$0xFFFFFFFB ss:$0x81] =	vst.msk $0xffff, v5;
	s15 =	sadd.s32 $0x80, s15  }
.LBB1_3:
0x37: {  	v5 =	vld [tilespmem:s15+$0x30];
	s14 =	sadd.s32 $0x8, s14;
	[tilespmem:s12+$0xFFFFFFFC ss:$0x81] =	vst.msk $0xffff, v1  }
0x38: {  	v6 =	vld [tilespmem:s15+$0xFFFFFFD0];
	p1 =	slt.u32 s14, $0x78;
	[tilespmem:s12+$0xFFFFFFFD ss:$0x81] =	vst.msk $0xffff, v2  }
0x39: {  	v7 =	vld [tilespmem:s15+$0xFFFFFFE0];
	[tilespmem:s12+$0xFFFFFFFE ss:$0x81] =	vst.msk $0xffff, v0  }
.Ltmp3:
0x3a: {  	v1 =	vld [tilespmem:s15+$0xFFFFFFF0];
	[tilespmem:s12+$0xFFFFFFFF ss:$0x81] =	vst.msk $0xffff, v4;
	(pc) =	sbr.rel @p1 .LBB1_3-.Ltmp3, $4  }
0x3b: {  	v2 =	vld [tilespmem:s15+$0x0];
	[tilespmem:s12+$0xFFFFFFF9 ss:$0x81] =	vst.msk $0xffff, v3;
	s12 =	sadd.s32 $0x8, s12  }
0x3c: {  	v0 =	vld [tilespmem:s15+$0x10];
	[tilespmem:s12+$0x0 ss:$0x81] =	vst.msk $0xffff, v5  }
0x3d: {  	[tilespmem:s12+$0xFFFFFFFA ss:$0x81] =	vst.msk $0xffff, v6;
	v4 =	vld [tilespmem:s15+$0x20]  }
0x3e: {  	v3 =	vld [tilespmem:s15+$0xFFFFFFC0];
	[tilespmem:s12+$0xFFFFFFFB ss:$0x81] =	vst.msk $0xffff, v7;
	s15 =	sadd.s32 $0x80, s15  }
.Ltmp4:
0x3f: {  	_ = 	snop;
	(pc) =	sbr.rel .LBB1_4-.Ltmp4, $1  }
0x40: {  	_ =	sdelay $0x3  }
.LBB1_6:
0x41: {  	_ =	sfence.sel $0x180000  }
0x42: {  	s2 =	simm.s32 $0x1;
	[bflag:$0x0] =	sbarrier.arrive $0xFFFF  }
0x43: {  	s31 =	simm.s32 $0x2;
	[sflag:s2] =	ssyncpa.u1 $0x1  }
0x44: {  	[sflag:s31] =	ssyncpa.u1 $0x1  }
0x45: {  	p0 =	sne.s32 s0, $0x0;
	_ =	strace $0x9000004A  }
0x46: {  	s0 =	sadd.s32 @!p0 $0x100000, s1;
	[bflag:$0x2] =	sbarrier.arrive $0xFFFF  }
0x47: {  	[sflag:s0] =	ssyncadd.tile.s32 @!p0 $0x1;
	_ =	shalt  }
.Lfunc_end1:
_tile_overlayer_lowered:
.L_overlay_start_2:
0x48: {  	(tag) =	ssettag $0x2  }
0x49: {  	s0 =	rddreg [dreg:$0x0];
	s2 =	stileid.u32  }
0x4a: {  	s1 =	rddreg [dreg:$0x1];
	p0 =	sne.s32 s2, $0x0  }
0x4b: {  	s3 =	rddreg [dreg:$0x2];
	[bflag:$0x3] =	sbarrier.arrive $0xFFFF;
	s2 =	simm.s32 @!p0 $0x1C01  }
0x4c: {  	[timem:s3], [sflag:s2] =	dma.local @!p0 [hbm:s0], s1  }
0x4d: {  	s0 =	simm.s32 @!p0 $0x1  }
0x4e: {  	_ =	swait.ge @!p0 [sflag:s0], s1  }
0x4f: {  	s1 =	ssub.s32 @!p0 $0x0, s1;
	[sflag:s0] =	ssyncset.done @!p0 $0x0  }
0x50: {  	[sflag:s0] =	ssyncadd.s32 @!p0 s1  }
0x51: {  	[bflag:$0x3] =	sbarrier.arrive $0xFFFF  }
0x52: {  	_ =	shalt  }

</sc_bundles>
